<compile_context>
chip_gen: v7x
topology: tpu7x:2x2x1
jax: 0.10.2.dev20260603
libtpu: 0.0.44.dev20260713+nightly
codegen_flags: <defaults>
</compile_context>

<pallas_src>
import functools

import jax
import jax.numpy as jnp
from jax import lax
from jax.experimental import pallas as pl
from jax.experimental.pallas import tpu as pltpu
from jax.experimental.pallas import tpu_sc as plsc

BATCH = 16384
CELLS = 16
DIM = 128
ROWS = BATCH * CELLS
FLAT = ROWS * DIM
NC, NS, LANES = 2, 16, 16
NW = NC * NS
ROWS_PER_W = ROWS // NW
CHUNK = 128
CFLAT = CHUNK * DIM
STEPS = ROWS_PER_W // CHUNK
NBUF = 4


def _sc_body(x_hbm, table_hbm, out_hbm, table_v, x_bufs, bufs, sems, x_sems,
             spm):
    sid = lax.axis_index("s")
    wid = lax.axis_index("s") * NC + lax.axis_index("c")
    base_row = wid * ROWS_PER_W
    pltpu.sync_copy(table_hbm, table_v)
    for p in range(NBUF):
        pltpu.async_copy(x_hbm.at[pl.ds(base_row + p * CHUNK, CHUNK)],
                         x_bufs[p], x_sems[p])

    def compute_chunk(x_v, out_b):
        def group(b, _):
            v = x_v[pl.ds(b * LANES, LANES)]
            f = jnp.maximum(v, 1).astype(jnp.float32)
            bits = lax.bitcast_convert_type(f, jnp.int32)
            toffs = lax.shift_right_logical(bits, 23) * DIM
            gbase = b * (LANES * DIM)

            def load_row(r):
                toff = toffs[r] - 127 * DIM
                return [table_v[pl.ds(toff + k * LANES, LANES)]
                        for k in range(DIM // LANES)]

            vals = load_row(0)
            for r in range(LANES):
                doff = gbase + r * DIM
                nxt = []
                if r + 1 < LANES:
                    toff = toffs[r + 1] - 127 * DIM
                    for k in range(DIM // LANES):
                        nxt.append(table_v[pl.ds(toff + k * LANES, LANES)])
                        out_b[pl.ds(doff + k * LANES, LANES)] = vals[k]
                else:
                    for k in range(DIM // LANES):
                        out_b[pl.ds(doff + k * LANES, LANES)] = vals[k]
                vals = nxt
            return 0

        lax.fori_loop(0, 0, group, 0)

    def step(gi, _):
        for p in range(NBUF):
            g = gi * NBUF + p
            row0 = base_row + g * CHUNK
            fstart = row0 * DIM
            pltpu.make_async_copy(x_hbm.at[pl.ds(row0, CHUNK)], x_bufs[p],
                                  x_sems[p]).wait()

            @pl.when(g >= NBUF)
            def _():
                src = bufs[p] if p % 2 == 0 else spm.at[sid, p // 2]
                pltpu.make_async_copy(
                    src, out_hbm.at[pl.ds(fstart - NBUF * CFLAT, CFLAT)],
                    sems[p]).wait()

            compute_chunk(x_bufs[p], bufs[p])
            if p % 2 == 0:
                pltpu.async_copy(bufs[p], out_hbm.at[pl.ds(fstart, CFLAT)],
                                 sems[p])
            else:
                pltpu.sync_copy(bufs[p], spm.at[sid, p // 2])
                pltpu.async_copy(spm.at[sid, p // 2],
                                 out_hbm.at[pl.ds(fstart, CFLAT)], sems[p])

            @pl.when(g + NBUF < STEPS)
            def _():
                pltpu.async_copy(
                    x_hbm.at[pl.ds(row0 + NBUF * CHUNK, CHUNK)], x_bufs[p],
                    x_sems[p])
        return 0

    lax.fori_loop(0, STEPS // NBUF, step, 0)
    for p in range(NBUF):
        tail = (base_row + (STEPS - NBUF + p) * CHUNK) * DIM
        src = bufs[p] if p % 2 == 0 else spm.at[sid, p // 2]
        pltpu.make_async_copy(src, out_hbm.at[pl.ds(tail, CFLAT)],
                              sems[p]).wait()


def _body_wrapper(x_hbm, table_hbm, out_hbm, table_v, x0, x1, x2, x3,
                  b0, b1, b2, b3, s0, s1, s2, s3, t0, t1, t2, t3, spm):
    _sc_body(x_hbm, table_hbm, out_hbm, table_v, [x0, x1, x2, x3],
             [b0, b1, b2, b3], [s0, s1, s2, s3], [t0, t1, t2, t3], spm)


@functools.partial(jax.jit, static_argnames=())
def kernel(X, emb_weight):
    x_flat = X.reshape(ROWS).astype(jnp.int32)
    t_flat = emb_weight.reshape(16 * DIM)
    mesh = plsc.VectorSubcoreMesh(core_axis_name="c", subcore_axis_name="s")
    out = pl.kernel(
        _body_wrapper,
        out_type=jax.ShapeDtypeStruct((FLAT,), jnp.float32),
        mesh=mesh,
        scratch_types=(
            [pltpu.VMEM((16 * DIM,), jnp.float32)]
            + [pltpu.VMEM((CHUNK,), jnp.int32) for _ in range(NBUF)]
            + [pltpu.VMEM((CFLAT,), jnp.float32) for _ in range(NBUF)]
            + [pltpu.SemaphoreType.DMA for _ in range(2 * NBUF)]
            + [pltpu.VMEM_SHARED((NS, NBUF // 2, CFLAT), jnp.float32)]
        ),
    )(x_flat, t_flat)
    return out.reshape(BATCH, CELLS * DIM)

# --- scband reference (transcript-rebuilt; emitter-appended) ---
"""Pipeline reference for scband-board2-tensor-25864293056794 (READ-ONLY COPY).

The authoritative reference and input builder live on the scoring server;
editing this copy changes nothing except your own understanding.
"""

import jax, jax.numpy as jnp
import numpy as np

BATCH = 16384
EMB_DIM = 128
NUM_EMB = 16


def setup_inputs(seed: int = 0) -> dict:
    key = jax.random.key(seed)
    k1, k2 = jax.random.split(key)
    X = jax.random.randint(k1, (BATCH, 4, 4), 0, 2048, dtype=jnp.int64) if jax.config.jax_enable_x64 else jax.random.randint(k1, (BATCH, 4, 4), 0, 2048, dtype=jnp.int32)
    emb_weight = jax.random.normal(k2, (NUM_EMB, EMB_DIM), dtype=jnp.float32)
    return {"X": X, "emb_weight": emb_weight}


def reference(X, emb_weight):
    # X: int[batch, 4, 4] board values (0, 2, 4, ..., 2048)
    Xf = X.reshape(X.shape[0], 16)
    # replace zeros with ones so log2 is defined (log2(1) = 0 -> index 0)
    new_X = jnp.where(Xf != 0, Xf, jnp.ones_like(Xf))
    # log2 then truncate to int (matches np.log2(...).astype(int))
    idx = jnp.log2(new_X.astype(jnp.float32)).astype(jnp.int32)
    # embedding lookup (gather)
    X_emb = jnp.take(emb_weight, idx, axis=0)  # [batch, 16, emb_dim]
    concatenated_emb = X_emb.reshape(X_emb.shape[0], -1)  # [batch, 16*emb_dim]
    return concatenated_emb

if __name__ == "__main__":
    import jax
    _d = setup_inputs()
    print(jax.jit(kernel)(*tuple(_d.values())))

</pallas_src>

<mosaic_0001>
#map = affine_map<(d0, d1) -> (0)>
module attributes {stable_mosaic.version = 14 : i64} {
  func.func @_body_wrapper(%arg0: i32, %arg1: i32, %arg2: memref<262144xi32, #tpu.memory_space<hbm>>, %arg3: memref<2048xf32, #tpu.memory_space<hbm>>, %arg4: memref<33554432xf32, #tpu.memory_space<hbm>>, %arg5: memref<2048xf32, #tpu.memory_space<vmem>>, %arg6: memref<128xi32, #tpu.memory_space<vmem>>, %arg7: memref<128xi32, #tpu.memory_space<vmem>>, %arg8: memref<128xi32, #tpu.memory_space<vmem>>, %arg9: memref<128xi32, #tpu.memory_space<vmem>>, %arg10: memref<16384xf32, #tpu.memory_space<vmem>>, %arg11: memref<16384xf32, #tpu.memory_space<vmem>>, %arg12: memref<16384xf32, #tpu.memory_space<vmem>>, %arg13: memref<16384xf32, #tpu.memory_space<vmem>>, %arg14: memref<!tpu.dma_semaphore, #tpu.memory_space<semaphore_mem>>, %arg15: memref<!tpu.dma_semaphore, #tpu.memory_space<semaphore_mem>>, %arg16: memref<!tpu.dma_semaphore, #tpu.memory_space<semaphore_mem>>, %arg17: memref<!tpu.dma_semaphore, #tpu.memory_space<semaphore_mem>>, %arg18: memref<!tpu.dma_semaphore, #tpu.memory_space<semaphore_mem>>, %arg19: memref<!tpu.dma_semaphore, #tpu.memory_space<semaphore_mem>>, %arg20: memref<!tpu.dma_semaphore, #tpu.memory_space<semaphore_mem>>, %arg21: memref<!tpu.dma_semaphore, #tpu.memory_space<semaphore_mem>>, %arg22: memref<16x2x16384xf32, #tpu.memory_space<vmem_shared>>) attributes {dimension_semantics = [#tpu.dimension_semantics<core_parallel>, #tpu.dimension_semantics<subcore_parallel>], iteration_bounds = array<i64: 2, 16>, scalar_prefetch = 0 : i64, scratch_operands = 18 : i64, tpu.core_type = #tpu.core_type<sc_vector_subcore>, window_params = [{transform_indices = #map}, {transform_indices = #map}, {transform_indices = #map}]} {
    %mul3A = arith.constant 2 : i32
    %mul3A_0 = arith.muli %arg1, %mul3A : i32
    %add3A = arith.addi %mul3A_0, %arg0 : i32
    %mul3A_1 = arith.constant 8192 : i32
    %mul3A_2 = arith.muli %add3A, %mul3A_1 : i32
    "tpu.region"() ({
      %run_scoped3A = tpu.sem_alloc : memref<!tpu.dma_semaphore, #tpu.memory_space<semaphore_mem>>
      tpu.enqueue_dma source(%arg3 : memref<2048xf32, #tpu.memory_space<hbm>>) target(%arg5 : memref<2048xf32, #tpu.memory_space<vmem>>) target_semaphore(%run_scoped3A : memref<!tpu.dma_semaphore, #tpu.memory_space<semaphore_mem>>)
      tpu.wait_dma2 semaphore(%run_scoped3A : memref<!tpu.dma_semaphore, #tpu.memory_space<semaphore_mem>>) src(%arg3 : memref<2048xf32, #tpu.memory_space<hbm>>) dst(%arg5 : memref<2048xf32, #tpu.memory_space<vmem>>)
      tpu.yield
    }) : () -> ()
    %add3A_3 = arith.constant 0 : i32
    %add3A_4 = arith.addi %mul3A_2, %add3A_3 : i32
    %dma_start3A = tpu.memref_slice %arg2[%add3A_4] : memref<262144xi32, #tpu.memory_space<hbm>> -> memref<128xi32, #tpu.memory_space<hbm>>
    %dma_start3A_5 = tpu.memref_slice %arg2[%add3A_4] : memref<262144xi32, #tpu.memory_space<hbm>> -> memref<128xi32, #tpu.memory_space<hbm>>
    tpu.enqueue_dma source(%dma_start3A_5 : memref<128xi32, #tpu.memory_space<hbm>>) target(%arg6 : memref<128xi32, #tpu.memory_space<vmem>>) target_semaphore(%arg18 : memref<!tpu.dma_semaphore, #tpu.memory_space<semaphore_mem>>)
    %add3A_6 = arith.constant 128 : i32
    %add3A_7 = arith.addi %mul3A_2, %add3A_6 : i32
    %dma_start3A_8 = tpu.memref_slice %arg2[%add3A_7] : memref<262144xi32, #tpu.memory_space<hbm>> -> memref<128xi32, #tpu.memory_space<hbm>>
    %dma_start3A_9 = tpu.memref_slice %arg2[%add3A_7] : memref<262144xi32, #tpu.memory_space<hbm>> -> memref<128xi32, #tpu.memory_space<hbm>>
    tpu.enqueue_dma source(%dma_start3A_9 : memref<128xi32, #tpu.memory_space<hbm>>) target(%arg7 : memref<128xi32, #tpu.memory_space<vmem>>) target_semaphore(%arg19 : memref<!tpu.dma_semaphore, #tpu.memory_space<semaphore_mem>>)
    %add3A_10 = arith.constant 256 : i32
    %add3A_11 = arith.addi %mul3A_2, %add3A_10 : i32
    %dma_start3A_12 = tpu.memref_slice %arg2[%add3A_11] : memref<262144xi32, #tpu.memory_space<hbm>> -> memref<128xi32, #tpu.memory_space<hbm>>
    %dma_start3A_13 = tpu.memref_slice %arg2[%add3A_11] : memref<262144xi32, #tpu.memory_space<hbm>> -> memref<128xi32, #tpu.memory_space<hbm>>
    tpu.enqueue_dma source(%dma_start3A_13 : memref<128xi32, #tpu.memory_space<hbm>>) target(%arg8 : memref<128xi32, #tpu.memory_space<vmem>>) target_semaphore(%arg20 : memref<!tpu.dma_semaphore, #tpu.memory_space<semaphore_mem>>)
    %add3A_14 = arith.constant 384 : i32
    %add3A_15 = arith.addi %mul3A_2, %add3A_14 : i32
    %dma_start3A_16 = tpu.memref_slice %arg2[%add3A_15] : memref<262144xi32, #tpu.memory_space<hbm>> -> memref<128xi32, #tpu.memory_space<hbm>>
    %dma_start3A_17 = tpu.memref_slice %arg2[%add3A_15] : memref<262144xi32, #tpu.memory_space<hbm>> -> memref<128xi32, #tpu.memory_space<hbm>>
    tpu.enqueue_dma source(%dma_start3A_17 : memref<128xi32, #tpu.memory_space<hbm>>) target(%arg9 : memref<128xi32, #tpu.memory_space<vmem>>) target_semaphore(%arg21 : memref<!tpu.dma_semaphore, #tpu.memory_space<semaphore_mem>>)
    %scan3A = arith.constant 0 : i32
    %scan3A_18 = arith.constant 0 : i32
    %scan3A_19 = arith.constant 16 : i32
    %scan3A_20 = arith.addi %scan3A_18, %scan3A_19 : i32
    %scan3A_21 = arith.constant 1 : i32
    %scan3A_22 = scf.for %scan3A_53 = %scan3A_18 to %scan3A_20 step %scan3A_21 iter_args(%scan3A_54 = %scan3A) -> (i32)  : i32 {
      %mul3A_55 = arith.constant 4 : i32
      %mul3A_56 = arith.muli %scan3A_53, %mul3A_55 : i32
      %add3A_57 = arith.constant 0 : i32
      %add3A_58 = arith.addi %mul3A_56, %add3A_57 : i32
      %mul3A_59 = arith.constant 128 : i32
      %mul3A_60 = arith.muli %add3A_58, %mul3A_59 : i32
      %add3A_61 = arith.addi %mul3A_2, %mul3A_60 : i32
      %mul3A_62 = arith.constant 128 : i32
      %mul3A_63 = arith.muli %add3A_61, %mul3A_62 : i32
      %dma_wait3A_64 = tpu.memref_slice %arg2[%add3A_61] : memref<262144xi32, #tpu.memory_space<hbm>> -> memref<128xi32, #tpu.memory_space<hbm>>
      %dma_wait3A_65 = tpu.memref_slice %arg2[%add3A_61] : memref<262144xi32, #tpu.memory_space<hbm>> -> memref<128xi32, #tpu.memory_space<hbm>>
      tpu.wait_dma2 semaphore(%arg18 : memref<!tpu.dma_semaphore, #tpu.memory_space<semaphore_mem>>) src(%dma_wait3A_65 : memref<128xi32, #tpu.memory_space<hbm>>) dst(%arg6 : memref<128xi32, #tpu.memory_space<vmem>>)
      %ge3A = arith.constant 4 : i32
      %ge3A_66 = arith.cmpi sge, %add3A_58, %ge3A : i32
      %convert_element_type3A = arith.extui %ge3A_66 : i1 to i32
      %cond3A = arith.constant 0 : i32
      %cond3A_67 = arith.cmpi ne, %convert_element_type3A, %cond3A : i32
      scf.if %cond3A_67 {
        %sub3A = arith.constant 65536 : i32
        %sub3A_179 = arith.subi %mul3A_63, %sub3A : i32
        %dma_wait3A_180 = tpu.memref_slice %arg4[%sub3A_179] : memref<33554432xf32, #tpu.memory_space<hbm>> -> memref<16384xf32, #tpu.memory_space<hbm>>
        %dma_wait3A_181 = tpu.memref_slice %arg4[%sub3A_179] : memref<33554432xf32, #tpu.memory_space<hbm>> -> memref<16384xf32, #tpu.memory_space<hbm>>
        tpu.wait_dma2 semaphore(%arg14 : memref<!tpu.dma_semaphore, #tpu.memory_space<semaphore_mem>>) src(%arg10 : memref<16384xf32, #tpu.memory_space<vmem>>) dst(%dma_wait3A_181 : memref<16384xf32, #tpu.memory_space<hbm>>)
      } else {
      }
      %scan3A_68 = arith.constant 0 : i32
      %scan3A_69 = arith.constant 0 : i32
      %scan3A_70 = arith.constant 0 : i32
      %scan3A_71 = arith.addi %scan3A_69, %scan3A_70 : i32
      %scan3A_72 = arith.constant 0 : i32
      %dma_start3A_73 = tpu.memref_slice %arg4[%mul3A_63] : memref<33554432xf32, #tpu.memory_space<hbm>> -> memref<16384xf32, #tpu.memory_space<hbm>>
      %dma_start3A_74 = tpu.memref_slice %arg4[%mul3A_63] : memref<33554432xf32, #tpu.memory_space<hbm>> -> memref<16384xf32, #tpu.memory_space<hbm>>
      tpu.enqueue_dma source(%arg10 : memref<16384xf32, #tpu.memory_space<vmem>>) target(%dma_start3A_74 : memref<16384xf32, #tpu.memory_space<hbm>>) target_semaphore(%arg14 : memref<!tpu.dma_semaphore, #tpu.memory_space<semaphore_mem>>)
      %add3A_75 = arith.constant 4 : i32
      %add3A_76 = arith.addi %add3A_58, %add3A_75 : i32
      %lt3A = arith.constant 64 : i32
      %lt3A_77 = arith.cmpi slt, %add3A_76, %lt3A : i32
      %convert_element_type3A_78 = arith.extui %lt3A_77 : i1 to i32
      %cond3A_79 = arith.constant 0 : i32
      %cond3A_80 = arith.cmpi ne, %convert_element_type3A_78, %cond3A_79 : i32
      scf.if %cond3A_80 {
        %add3A_179 = arith.constant 512 : i32
        %add3A_180 = arith.addi %add3A_61, %add3A_179 : i32
        %dma_start3A_181 = tpu.memref_slice %arg2[%add3A_180] : memref<262144xi32, #tpu.memory_space<hbm>> -> memref<128xi32, #tpu.memory_space<hbm>>
        %dma_start3A_182 = tpu.memref_slice %arg2[%add3A_180] : memref<262144xi32, #tpu.memory_space<hbm>> -> memref<128xi32, #tpu.memory_space<hbm>>
        tpu.enqueue_dma source(%dma_start3A_182 : memref<128xi32, #tpu.memory_space<hbm>>) target(%arg6 : memref<128xi32, #tpu.memory_space<vmem>>) target_semaphore(%arg18 : memref<!tpu.dma_semaphore, #tpu.memory_space<semaphore_mem>>)
      } else {
      }
      %mul3A_81 = arith.constant 4 : i32
      %mul3A_82 = arith.muli %scan3A_53, %mul3A_81 : i32
      %add3A_83 = arith.constant 1 : i32
      %add3A_84 = arith.addi %mul3A_82, %add3A_83 : i32
      %mul3A_85 = arith.constant 128 : i32
      %mul3A_86 = arith.muli %add3A_84, %mul3A_85 : i32
      %add3A_87 = arith.addi %mul3A_2, %mul3A_86 : i32
      %mul3A_88 = arith.constant 128 : i32
      %mul3A_89 = arith.muli %add3A_87, %mul3A_88 : i32
      %dma_wait3A_90 = tpu.memref_slice %arg2[%add3A_87] : memref<262144xi32, #tpu.memory_space<hbm>> -> memref<128xi32, #tpu.memory_space<hbm>>
      %dma_wait3A_91 = tpu.memref_slice %arg2[%add3A_87] : memref<262144xi32, #tpu.memory_space<hbm>> -> memref<128xi32, #tpu.memory_space<hbm>>
      tpu.wait_dma2 semaphore(%arg19 : memref<!tpu.dma_semaphore, #tpu.memory_space<semaphore_mem>>) src(%dma_wait3A_91 : memref<128xi32, #tpu.memory_space<hbm>>) dst(%arg7 : memref<128xi32, #tpu.memory_space<vmem>>)
      %ge3A_92 = arith.constant 4 : i32
      %ge3A_93 = arith.cmpi sge, %add3A_84, %ge3A_92 : i32
      %convert_element_type3A_94 = arith.extui %ge3A_93 : i1 to i32
      %cond3A_95 = arith.constant 0 : i32
      %cond3A_96 = arith.cmpi ne, %convert_element_type3A_94, %cond3A_95 : i32
      scf.if %cond3A_96 {
        %sub3A = arith.constant 65536 : i32
        %sub3A_179 = arith.subi %mul3A_89, %sub3A : i32
        %dma_wait3A_180 = arith.constant 0 : i32
        %dma_wait3A_181 = tpu.memref_slice %arg4[%sub3A_179] : memref<33554432xf32, #tpu.memory_space<hbm>> -> memref<16384xf32, #tpu.memory_space<hbm>>
        %dma_wait3A_182 = arith.constant 0 : i32
        %dma_wait3A_183 = tpu.memref_slice %arg22[%arg1, %dma_wait3A_180, %dma_wait3A_182] : memref<16x2x16384xf32, #tpu.memory_space<vmem_shared>> -> memref<1x1x16384xf32, #tpu.memory_space<vmem_shared>>
        %dma_wait3A_184 = tpu.memref_squeeze %dma_wait3A_183 : memref<1x1x16384xf32, #tpu.memory_space<vmem_shared>> -> memref<16384xf32, #tpu.memory_space<vmem_shared>>
        tpu.wait_dma2 semaphore(%arg15 : memref<!tpu.dma_semaphore, #tpu.memory_space<semaphore_mem>>) src(%dma_wait3A_184 : memref<16384xf32, #tpu.memory_space<vmem_shared>>) dst(%dma_wait3A_181 : memref<16384xf32, #tpu.memory_space<hbm>>)
      } else {
      }
      %scan3A_97 = arith.constant 0 : i32
      %scan3A_98 = arith.constant 0 : i32
      %scan3A_99 = arith.constant 0 : i32
      %scan3A_100 = arith.addi %scan3A_98, %scan3A_99 : i32
      %scan3A_101 = arith.constant 0 : i32
      %run_scoped3A = arith.constant 0 : i32
      "tpu.region"() ({
        %run_scoped3A_179 = tpu.sem_alloc : memref<!tpu.dma_semaphore, #tpu.memory_space<semaphore_mem>>
        %dma_start3A_180 = arith.constant 0 : i32
        %dma_start3A_181 = tpu.memref_slice %arg22[%arg1, %run_scoped3A, %dma_start3A_180] : memref<16x2x16384xf32, #tpu.memory_space<vmem_shared>> -> memref<1x1x16384xf32, #tpu.memory_space<vmem_shared>>
        %dma_start3A_182 = tpu.memref_squeeze %dma_start3A_181 : memref<1x1x16384xf32, #tpu.memory_space<vmem_shared>> -> memref<16384xf32, #tpu.memory_space<vmem_shared>>
        %dma_start3A_183 = arith.constant 0 : i32
        %dma_start3A_184 = tpu.memref_slice %arg22[%arg1, %run_scoped3A, %dma_start3A_183] : memref<16x2x16384xf32, #tpu.memory_space<vmem_shared>> -> memref<1x1x16384xf32, #tpu.memory_space<vmem_shared>>
        %dma_start3A_185 = tpu.memref_squeeze %dma_start3A_184 : memref<1x1x16384xf32, #tpu.memory_space<vmem_shared>> -> memref<16384xf32, #tpu.memory_space<vmem_shared>>
        tpu.enqueue_dma source(%arg11 : memref<16384xf32, #tpu.memory_space<vmem>>) target(%dma_start3A_185 : memref<16384xf32, #tpu.memory_space<vmem_shared>>) target_semaphore(%run_scoped3A_179 : memref<!tpu.dma_semaphore, #tpu.memory_space<semaphore_mem>>)
        %dma_wait3A_186 = arith.constant 0 : i32
        %dma_wait3A_187 = tpu.memref_slice %arg22[%arg1, %run_scoped3A, %dma_wait3A_186] : memref<16x2x16384xf32, #tpu.memory_space<vmem_shared>> -> memref<1x1x16384xf32, #tpu.memory_space<vmem_shared>>
        %dma_wait3A_188 = tpu.memref_squeeze %dma_wait3A_187 : memref<1x1x16384xf32, #tpu.memory_space<vmem_shared>> -> memref<16384xf32, #tpu.memory_space<vmem_shared>>
        %dma_wait3A_189 = arith.constant 0 : i32
        %dma_wait3A_190 = tpu.memref_slice %arg22[%arg1, %run_scoped3A, %dma_wait3A_189] : memref<16x2x16384xf32, #tpu.memory_space<vmem_shared>> -> memref<1x1x16384xf32, #tpu.memory_space<vmem_shared>>
        %dma_wait3A_191 = tpu.memref_squeeze %dma_wait3A_190 : memref<1x1x16384xf32, #tpu.memory_space<vmem_shared>> -> memref<16384xf32, #tpu.memory_space<vmem_shared>>
        tpu.wait_dma2 semaphore(%run_scoped3A_179 : memref<!tpu.dma_semaphore, #tpu.memory_space<semaphore_mem>>) src(%arg11 : memref<16384xf32, #tpu.memory_space<vmem>>) dst(%dma_wait3A_191 : memref<16384xf32, #tpu.memory_space<vmem_shared>>)
        tpu.yield
      }) : () -> ()
      %dma_start3A_102 = arith.constant 0 : i32
      %dma_start3A_103 = tpu.memref_slice %arg4[%mul3A_89] : memref<33554432xf32, #tpu.memory_space<hbm>> -> memref<16384xf32, #tpu.memory_space<hbm>>
      %dma_start3A_104 = arith.constant 0 : i32
      %dma_start3A_105 = tpu.memref_slice %arg22[%arg1, %dma_start3A_102, %dma_start3A_104] : memref<16x2x16384xf32, #tpu.memory_space<vmem_shared>> -> memref<1x1x16384xf32, #tpu.memory_space<vmem_shared>>
      %dma_start3A_106 = tpu.memref_squeeze %dma_start3A_105 : memref<1x1x16384xf32, #tpu.memory_space<vmem_shared>> -> memref<16384xf32, #tpu.memory_space<vmem_shared>>
      tpu.enqueue_dma source(%dma_start3A_106 : memref<16384xf32, #tpu.memory_space<vmem_shared>>) target(%dma_start3A_103 : memref<16384xf32, #tpu.memory_space<hbm>>) target_semaphore(%arg15 : memref<!tpu.dma_semaphore, #tpu.memory_space<semaphore_mem>>)
      %add3A_107 = arith.constant 4 : i32
      %add3A_108 = arith.addi %add3A_84, %add3A_107 : i32
      %lt3A_109 = arith.constant 64 : i32
      %lt3A_110 = arith.cmpi slt, %add3A_108, %lt3A_109 : i32
      %convert_element_type3A_111 = arith.extui %lt3A_110 : i1 to i32
      %cond3A_112 = arith.constant 0 : i32
      %cond3A_113 = arith.cmpi ne, %convert_element_type3A_111, %cond3A_112 : i32
      scf.if %cond3A_113 {
        %add3A_179 = arith.constant 512 : i32
        %add3A_180 = arith.addi %add3A_87, %add3A_179 : i32
        %dma_start3A_181 = tpu.memref_slice %arg2[%add3A_180] : memref<262144xi32, #tpu.memory_space<hbm>> -> memref<128xi32, #tpu.memory_space<hbm>>
        %dma_start3A_182 = tpu.memref_slice %arg2[%add3A_180] : memref<262144xi32, #tpu.memory_space<hbm>> -> memref<128xi32, #tpu.memory_space<hbm>>
        tpu.enqueue_dma source(%dma_start3A_182 : memref<128xi32, #tpu.memory_space<hbm>>) target(%arg7 : memref<128xi32, #tpu.memory_space<vmem>>) target_semaphore(%arg19 : memref<!tpu.dma_semaphore, #tpu.memory_space<semaphore_mem>>)
      } else {
      }
      %mul3A_114 = arith.constant 4 : i32
      %mul3A_115 = arith.muli %scan3A_53, %mul3A_114 : i32
      %add3A_116 = arith.constant 2 : i32
      %add3A_117 = arith.addi %mul3A_115, %add3A_116 : i32
      %mul3A_118 = arith.constant 128 : i32
      %mul3A_119 = arith.muli %add3A_117, %mul3A_118 : i32
      %add3A_120 = arith.addi %mul3A_2, %mul3A_119 : i32
      %mul3A_121 = arith.constant 128 : i32
      %mul3A_122 = arith.muli %add3A_120, %mul3A_121 : i32
      %dma_wait3A_123 = tpu.memref_slice %arg2[%add3A_120] : memref<262144xi32, #tpu.memory_space<hbm>> -> memref<128xi32, #tpu.memory_space<hbm>>
      %dma_wait3A_124 = tpu.memref_slice %arg2[%add3A_120] : memref<262144xi32, #tpu.memory_space<hbm>> -> memref<128xi32, #tpu.memory_space<hbm>>
      tpu.wait_dma2 semaphore(%arg20 : memref<!tpu.dma_semaphore, #tpu.memory_space<semaphore_mem>>) src(%dma_wait3A_124 : memref<128xi32, #tpu.memory_space<hbm>>) dst(%arg8 : memref<128xi32, #tpu.memory_space<vmem>>)
      %ge3A_125 = arith.constant 4 : i32
      %ge3A_126 = arith.cmpi sge, %add3A_117, %ge3A_125 : i32
      %convert_element_type3A_127 = arith.extui %ge3A_126 : i1 to i32
      %cond3A_128 = arith.constant 0 : i32
      %cond3A_129 = arith.cmpi ne, %convert_element_type3A_127, %cond3A_128 : i32
      scf.if %cond3A_129 {
        %sub3A = arith.constant 65536 : i32
        %sub3A_179 = arith.subi %mul3A_122, %sub3A : i32
        %dma_wait3A_180 = tpu.memref_slice %arg4[%sub3A_179] : memref<33554432xf32, #tpu.memory_space<hbm>> -> memref<16384xf32, #tpu.memory_space<hbm>>
        %dma_wait3A_181 = tpu.memref_slice %arg4[%sub3A_179] : memref<33554432xf32, #tpu.memory_space<hbm>> -> memref<16384xf32, #tpu.memory_space<hbm>>
        tpu.wait_dma2 semaphore(%arg16 : memref<!tpu.dma_semaphore, #tpu.memory_space<semaphore_mem>>) src(%arg12 : memref<16384xf32, #tpu.memory_space<vmem>>) dst(%dma_wait3A_181 : memref<16384xf32, #tpu.memory_space<hbm>>)
      } else {
      }
      %scan3A_130 = arith.constant 0 : i32
      %scan3A_131 = arith.constant 0 : i32
      %scan3A_132 = arith.constant 0 : i32
      %scan3A_133 = arith.addi %scan3A_131, %scan3A_132 : i32
      %scan3A_134 = arith.constant 0 : i32
      %dma_start3A_135 = tpu.memref_slice %arg4[%mul3A_122] : memref<33554432xf32, #tpu.memory_space<hbm>> -> memref<16384xf32, #tpu.memory_space<hbm>>
      %dma_start3A_136 = tpu.memref_slice %arg4[%mul3A_122] : memref<33554432xf32, #tpu.memory_space<hbm>> -> memref<16384xf32, #tpu.memory_space<hbm>>
      tpu.enqueue_dma source(%arg12 : memref<16384xf32, #tpu.memory_space<vmem>>) target(%dma_start3A_136 : memref<16384xf32, #tpu.memory_space<hbm>>) target_semaphore(%arg16 : memref<!tpu.dma_semaphore, #tpu.memory_space<semaphore_mem>>)
      %add3A_137 = arith.constant 4 : i32
      %add3A_138 = arith.addi %add3A_117, %add3A_137 : i32
      %lt3A_139 = arith.constant 64 : i32
      %lt3A_140 = arith.cmpi slt, %add3A_138, %lt3A_139 : i32
      %convert_element_type3A_141 = arith.extui %lt3A_140 : i1 to i32
      %cond3A_142 = arith.constant 0 : i32
      %cond3A_143 = arith.cmpi ne, %convert_element_type3A_141, %cond3A_142 : i32
      scf.if %cond3A_143 {
        %add3A_179 = arith.constant 512 : i32
        %add3A_180 = arith.addi %add3A_120, %add3A_179 : i32
        %dma_start3A_181 = tpu.memref_slice %arg2[%add3A_180] : memref<262144xi32, #tpu.memory_space<hbm>> -> memref<128xi32, #tpu.memory_space<hbm>>
        %dma_start3A_182 = tpu.memref_slice %arg2[%add3A_180] : memref<262144xi32, #tpu.memory_space<hbm>> -> memref<128xi32, #tpu.memory_space<hbm>>
        tpu.enqueue_dma source(%dma_start3A_182 : memref<128xi32, #tpu.memory_space<hbm>>) target(%arg8 : memref<128xi32, #tpu.memory_space<vmem>>) target_semaphore(%arg20 : memref<!tpu.dma_semaphore, #tpu.memory_space<semaphore_mem>>)
      } else {
      }
      %mul3A_144 = arith.constant 4 : i32
      %mul3A_145 = arith.muli %scan3A_53, %mul3A_144 : i32
      %add3A_146 = arith.constant 3 : i32
      %add3A_147 = arith.addi %mul3A_145, %add3A_146 : i32
      %mul3A_148 = arith.constant 128 : i32
      %mul3A_149 = arith.muli %add3A_147, %mul3A_148 : i32
      %add3A_150 = arith.addi %mul3A_2, %mul3A_149 : i32
      %mul3A_151 = arith.constant 128 : i32
      %mul3A_152 = arith.muli %add3A_150, %mul3A_151 : i32
      %dma_wait3A_153 = tpu.memref_slice %arg2[%add3A_150] : memref<262144xi32, #tpu.memory_space<hbm>> -> memref<128xi32, #tpu.memory_space<hbm>>
      %dma_wait3A_154 = tpu.memref_slice %arg2[%add3A_150] : memref<262144xi32, #tpu.memory_space<hbm>> -> memref<128xi32, #tpu.memory_space<hbm>>
      tpu.wait_dma2 semaphore(%arg21 : memref<!tpu.dma_semaphore, #tpu.memory_space<semaphore_mem>>) src(%dma_wait3A_154 : memref<128xi32, #tpu.memory_space<hbm>>) dst(%arg9 : memref<128xi32, #tpu.memory_space<vmem>>)
      %ge3A_155 = arith.constant 4 : i32
      %ge3A_156 = arith.cmpi sge, %add3A_147, %ge3A_155 : i32
      %convert_element_type3A_157 = arith.extui %ge3A_156 : i1 to i32
      %cond3A_158 = arith.constant 0 : i32
      %cond3A_159 = arith.cmpi ne, %convert_element_type3A_157, %cond3A_158 : i32
      scf.if %cond3A_159 {
        %sub3A = arith.constant 65536 : i32
        %sub3A_179 = arith.subi %mul3A_152, %sub3A : i32
        %dma_wait3A_180 = arith.constant 1 : i32
        %dma_wait3A_181 = tpu.memref_slice %arg4[%sub3A_179] : memref<33554432xf32, #tpu.memory_space<hbm>> -> memref<16384xf32, #tpu.memory_space<hbm>>
        %dma_wait3A_182 = arith.constant 0 : i32
        %dma_wait3A_183 = tpu.memref_slice %arg22[%arg1, %dma_wait3A_180, %dma_wait3A_182] : memref<16x2x16384xf32, #tpu.memory_space<vmem_shared>> -> memref<1x1x16384xf32, #tpu.memory_space<vmem_shared>>
        %dma_wait3A_184 = tpu.memref_squeeze %dma_wait3A_183 : memref<1x1x16384xf32, #tpu.memory_space<vmem_shared>> -> memref<16384xf32, #tpu.memory_space<vmem_shared>>
        tpu.wait_dma2 semaphore(%arg17 : memref<!tpu.dma_semaphore, #tpu.memory_space<semaphore_mem>>) src(%dma_wait3A_184 : memref<16384xf32, #tpu.memory_space<vmem_shared>>) dst(%dma_wait3A_181 : memref<16384xf32, #tpu.memory_space<hbm>>)
      } else {
      }
      %scan3A_160 = arith.constant 0 : i32
      %scan3A_161 = arith.constant 0 : i32
      %scan3A_162 = arith.constant 0 : i32
      %scan3A_163 = arith.addi %scan3A_161, %scan3A_162 : i32
      %scan3A_164 = arith.constant 0 : i32
      %run_scoped3A_165 = arith.constant 1 : i32
      "tpu.region"() ({
        %run_scoped3A_179 = tpu.sem_alloc : memref<!tpu.dma_semaphore, #tpu.memory_space<semaphore_mem>>
        %dma_start3A_180 = arith.constant 0 : i32
        %dma_start3A_181 = tpu.memref_slice %arg22[%arg1, %run_scoped3A_165, %dma_start3A_180] : memref<16x2x16384xf32, #tpu.memory_space<vmem_shared>> -> memref<1x1x16384xf32, #tpu.memory_space<vmem_shared>>
        %dma_start3A_182 = tpu.memref_squeeze %dma_start3A_181 : memref<1x1x16384xf32, #tpu.memory_space<vmem_shared>> -> memref<16384xf32, #tpu.memory_space<vmem_shared>>
        %dma_start3A_183 = arith.constant 0 : i32
        %dma_start3A_184 = tpu.memref_slice %arg22[%arg1, %run_scoped3A_165, %dma_start3A_183] : memref<16x2x16384xf32, #tpu.memory_space<vmem_shared>> -> memref<1x1x16384xf32, #tpu.memory_space<vmem_shared>>
        %dma_start3A_185 = tpu.memref_squeeze %dma_start3A_184 : memref<1x1x16384xf32, #tpu.memory_space<vmem_shared>> -> memref<16384xf32, #tpu.memory_space<vmem_shared>>
        tpu.enqueue_dma source(%arg13 : memref<16384xf32, #tpu.memory_space<vmem>>) target(%dma_start3A_185 : memref<16384xf32, #tpu.memory_space<vmem_shared>>) target_semaphore(%run_scoped3A_179 : memref<!tpu.dma_semaphore, #tpu.memory_space<semaphore_mem>>)
        %dma_wait3A_186 = arith.constant 0 : i32
        %dma_wait3A_187 = tpu.memref_slice %arg22[%arg1, %run_scoped3A_165, %dma_wait3A_186] : memref<16x2x16384xf32, #tpu.memory_space<vmem_shared>> -> memref<1x1x16384xf32, #tpu.memory_space<vmem_shared>>
        %dma_wait3A_188 = tpu.memref_squeeze %dma_wait3A_187 : memref<1x1x16384xf32, #tpu.memory_space<vmem_shared>> -> memref<16384xf32, #tpu.memory_space<vmem_shared>>
        %dma_wait3A_189 = arith.constant 0 : i32
        %dma_wait3A_190 = tpu.memref_slice %arg22[%arg1, %run_scoped3A_165, %dma_wait3A_189] : memref<16x2x16384xf32, #tpu.memory_space<vmem_shared>> -> memref<1x1x16384xf32, #tpu.memory_space<vmem_shared>>
        %dma_wait3A_191 = tpu.memref_squeeze %dma_wait3A_190 : memref<1x1x16384xf32, #tpu.memory_space<vmem_shared>> -> memref<16384xf32, #tpu.memory_space<vmem_shared>>
        tpu.wait_dma2 semaphore(%run_scoped3A_179 : memref<!tpu.dma_semaphore, #tpu.memory_space<semaphore_mem>>) src(%arg13 : memref<16384xf32, #tpu.memory_space<vmem>>) dst(%dma_wait3A_191 : memref<16384xf32, #tpu.memory_space<vmem_shared>>)
        tpu.yield
      }) : () -> ()
      %dma_start3A_166 = arith.constant 1 : i32
      %dma_start3A_167 = tpu.memref_slice %arg4[%mul3A_152] : memref<33554432xf32, #tpu.memory_space<hbm>> -> memref<16384xf32, #tpu.memory_space<hbm>>
      %dma_start3A_168 = arith.constant 0 : i32
      %dma_start3A_169 = tpu.memref_slice %arg22[%arg1, %dma_start3A_166, %dma_start3A_168] : memref<16x2x16384xf32, #tpu.memory_space<vmem_shared>> -> memref<1x1x16384xf32, #tpu.memory_space<vmem_shared>>
      %dma_start3A_170 = tpu.memref_squeeze %dma_start3A_169 : memref<1x1x16384xf32, #tpu.memory_space<vmem_shared>> -> memref<16384xf32, #tpu.memory_space<vmem_shared>>
      tpu.enqueue_dma source(%dma_start3A_170 : memref<16384xf32, #tpu.memory_space<vmem_shared>>) target(%dma_start3A_167 : memref<16384xf32, #tpu.memory_space<hbm>>) target_semaphore(%arg17 : memref<!tpu.dma_semaphore, #tpu.memory_space<semaphore_mem>>)
      %add3A_171 = arith.constant 4 : i32
      %add3A_172 = arith.addi %add3A_147, %add3A_171 : i32
      %lt3A_173 = arith.constant 64 : i32
      %lt3A_174 = arith.cmpi slt, %add3A_172, %lt3A_173 : i32
      %convert_element_type3A_175 = arith.extui %lt3A_174 : i1 to i32
      %cond3A_176 = arith.constant 0 : i32
      %cond3A_177 = arith.cmpi ne, %convert_element_type3A_175, %cond3A_176 : i32
      scf.if %cond3A_177 {
        %add3A_179 = arith.constant 512 : i32
        %add3A_180 = arith.addi %add3A_150, %add3A_179 : i32
        %dma_start3A_181 = tpu.memref_slice %arg2[%add3A_180] : memref<262144xi32, #tpu.memory_space<hbm>> -> memref<128xi32, #tpu.memory_space<hbm>>
        %dma_start3A_182 = tpu.memref_slice %arg2[%add3A_180] : memref<262144xi32, #tpu.memory_space<hbm>> -> memref<128xi32, #tpu.memory_space<hbm>>
        tpu.enqueue_dma source(%dma_start3A_182 : memref<128xi32, #tpu.memory_space<hbm>>) target(%arg9 : memref<128xi32, #tpu.memory_space<vmem>>) target_semaphore(%arg21 : memref<!tpu.dma_semaphore, #tpu.memory_space<semaphore_mem>>)
      } else {
      }
      %scan3A_178 = arith.constant 0 : i32
      scf.yield %scan3A_178 : i32
    }
    %scan3A_23 = arith.constant 16 : i32
    %add3A_24 = arith.constant 7680 : i32
    %add3A_25 = arith.addi %mul3A_2, %add3A_24 : i32
    %mul3A_26 = arith.constant 128 : i32
    %mul3A_27 = arith.muli %add3A_25, %mul3A_26 : i32
    %dma_wait3A = tpu.memref_slice %arg4[%mul3A_27] : memref<33554432xf32, #tpu.memory_space<hbm>> -> memref<16384xf32, #tpu.memory_space<hbm>>
    %dma_wait3A_28 = tpu.memref_slice %arg4[%mul3A_27] : memref<33554432xf32, #tpu.memory_space<hbm>> -> memref<16384xf32, #tpu.memory_space<hbm>>
    tpu.wait_dma2 semaphore(%arg14 : memref<!tpu.dma_semaphore, #tpu.memory_space<semaphore_mem>>) src(%arg10 : memref<16384xf32, #tpu.memory_space<vmem>>) dst(%dma_wait3A_28 : memref<16384xf32, #tpu.memory_space<hbm>>)
    %add3A_29 = arith.constant 7808 : i32
    %add3A_30 = arith.addi %mul3A_2, %add3A_29 : i32
    %mul3A_31 = arith.constant 128 : i32
    %mul3A_32 = arith.muli %add3A_30, %mul3A_31 : i32
    %dma_wait3A_33 = arith.constant 0 : i32
    %dma_wait3A_34 = tpu.memref_slice %arg4[%mul3A_32] : memref<33554432xf32, #tpu.memory_space<hbm>> -> memref<16384xf32, #tpu.memory_space<hbm>>
    %dma_wait3A_35 = arith.constant 0 : i32
    %dma_wait3A_36 = tpu.memref_slice %arg22[%arg1, %dma_wait3A_33, %dma_wait3A_35] : memref<16x2x16384xf32, #tpu.memory_space<vmem_shared>> -> memref<1x1x16384xf32, #tpu.memory_space<vmem_shared>>
    %dma_wait3A_37 = tpu.memref_squeeze %dma_wait3A_36 : memref<1x1x16384xf32, #tpu.memory_space<vmem_shared>> -> memref<16384xf32, #tpu.memory_space<vmem_shared>>
    tpu.wait_dma2 semaphore(%arg15 : memref<!tpu.dma_semaphore, #tpu.memory_space<semaphore_mem>>) src(%dma_wait3A_37 : memref<16384xf32, #tpu.memory_space<vmem_shared>>) dst(%dma_wait3A_34 : memref<16384xf32, #tpu.memory_space<hbm>>)
    %add3A_38 = arith.constant 7936 : i32
    %add3A_39 = arith.addi %mul3A_2, %add3A_38 : i32
    %mul3A_40 = arith.constant 128 : i32
    %mul3A_41 = arith.muli %add3A_39, %mul3A_40 : i32
    %dma_wait3A_42 = tpu.memref_slice %arg4[%mul3A_41] : memref<33554432xf32, #tpu.memory_space<hbm>> -> memref<16384xf32, #tpu.memory_space<hbm>>
    %dma_wait3A_43 = tpu.memref_slice %arg4[%mul3A_41] : memref<33554432xf32, #tpu.memory_space<hbm>> -> memref<16384xf32, #tpu.memory_space<hbm>>
    tpu.wait_dma2 semaphore(%arg16 : memref<!tpu.dma_semaphore, #tpu.memory_space<semaphore_mem>>) src(%arg12 : memref<16384xf32, #tpu.memory_space<vmem>>) dst(%dma_wait3A_43 : memref<16384xf32, #tpu.memory_space<hbm>>)
    %add3A_44 = arith.constant 8064 : i32
    %add3A_45 = arith.addi %mul3A_2, %add3A_44 : i32
    %mul3A_46 = arith.constant 128 : i32
    %mul3A_47 = arith.muli %add3A_45, %mul3A_46 : i32
    %dma_wait3A_48 = arith.constant 1 : i32
    %dma_wait3A_49 = tpu.memref_slice %arg4[%mul3A_47] : memref<33554432xf32, #tpu.memory_space<hbm>> -> memref<16384xf32, #tpu.memory_space<hbm>>
    %dma_wait3A_50 = arith.constant 0 : i32
    %dma_wait3A_51 = tpu.memref_slice %arg22[%arg1, %dma_wait3A_48, %dma_wait3A_50] : memref<16x2x16384xf32, #tpu.memory_space<vmem_shared>> -> memref<1x1x16384xf32, #tpu.memory_space<vmem_shared>>
    %dma_wait3A_52 = tpu.memref_squeeze %dma_wait3A_51 : memref<1x1x16384xf32, #tpu.memory_space<vmem_shared>> -> memref<16384xf32, #tpu.memory_space<vmem_shared>>
    tpu.wait_dma2 semaphore(%arg17 : memref<!tpu.dma_semaphore, #tpu.memory_space<semaphore_mem>>) src(%dma_wait3A_52 : memref<16384xf32, #tpu.memory_space<vmem_shared>>) dst(%dma_wait3A_49 : memref<16384xf32, #tpu.memory_space<hbm>>)
    return
  }
}

</mosaic_0001>

<sc_bundles>
// kernel: kernel.3.cloned.1.call-start
scs
__scs_entry_jumppad:
0x0: {  	(pc) =	sbr.rel $0x88, $3  }
0x1: {  	(tag) =	ssettag $0x0;
	lr =	simm.s32 $0x1  }
0x2: {  	[smem:$0x3F9F] =	sst lr;
	_ =	strace $0xD0000000  }
0x3: {  	_ = 	snop  }
0x4: {  	_ = 	snop  }
0x5: {  	_ = 	snop  }
0x6: {  	_ = 	snop  }
0x7: {  	_ = 	snop  }
__scs_overlays_trampoline_lowered:
0x8: {  	[smem:$0x3FAE] =	sst s0  }
0x9: {  	[smem:$0x3FAF] =	sst s1  }
0xa: {  	[smem:$0x3FB0] =	sst s2  }
0xb: {  	[smem:$0x3FB1] =	sst s3  }
0xc: {  	[smem:$0x3FB2] =	sst s4  }
0xd: {  	[smem:$0x3FB3] =	sst s5  }
0xe: {  	[smem:$0x3FB4] =	sst s6  }
0xf: {  	[smem:$0x3FB5] =	sst s7  }
0x10: {  	[smem:$0x3FB6] =	sst s8  }
0x11: {  	[smem:$0x3FB7] =	sst s9;
	s0 =	simm.s32 @!p0 $0x0  }
0x12: {  	s1 =	sld [smem:$0x3F9D];
	s0 =	simm.s32 @p0 $0x1  }
0x13: {  	[smem:$0x3FB8] =	sst s0;
	s0 =	simm.s32 @!p1 $0x0  }
0x14: {  	s2 =	sld [smem:$0x3F9C];
	s0 =	simm.s32 @p1 $0x1  }
0x15: {  	[smem:$0x3FB9] =	sst s0;
	s0 =	simm.s32 @!p2 $0x0  }
0x16: {  	s3 =	sld [smem:$0x3FDB];
	s0 =	simm.s32 @p2 $0x1  }
0x17: {  	s4 =	simm.s32 $0x1BF5;
	[smem:$0x3FBB] =	sst s0  }
0x18: {  	s0 =	sld [smem:$0x3F9E];
	_ =	swait.ge [sflag:s4], $0x0  }
0x19: {  	s7 =	sld [smem:$0x3F9F]  }
0x1a: {  	s8 =	sadd.s32 $0xFFFFE003, lr  }
0x1b: {  	s9 =	sadd.s32 $0xFFFFFEF7, lr;
	s5 =	simm.s32 $0xFFFFFFFF;
	p2 =	slt.u32 s8, $0xFFFFF086  }
0x1c: {  	p1 =	slt.u32 s9, $0xF7A;
	s5 =	simm.s32 @!p2 $0x0  }
0x1d: {  	s5 =	simm.s32 @p1 $0x1;
	p0 =	seq.s32 s7, s2  }
0x1e: {  	s7 =	smul.u32 @!p0 $0xF7A, s2;
	p2 =	seq.s32 @!p0 s5, $0x0  }
0x1f: {  	s9 =	smul.u32 $0xF7A, s1;
	s8 =	simm.s32 @!p0 $0x1BF5;
	p2 =	por !p2, p0  }
0x20: {  	[sflag:s8] =	ssyncset.s32 @!p0 $0xFFFFF086;
	s6 =	sadd.s32 @!p0 s3, s7;
	s7 =	simm.s32 @!p0 $0x108  }
0x21: {  	s3 =	sadd.s32 s3, s9;
	s6 =	sadd.s32 @!p0 $0x88, s6;
	s7 =	simm.s32 @p2 $0x1082  }
0x22: {  	[simem:s7], [sflag:s8] =	dma.local @!p0 [hbm:s6], $0xF7A  }
0x23: {  	s9 =	sor.u32 $0xD0000000, s2;
	s6 =	simm.s32 $0x108;
	_ =	swait.ge @!p0 [sflag:s8], $0x0  }
0x24: {  	s3 =	sadd.s32 $0x88, s3;
	s6 =	simm.s32 @!p1 $0x1082;
	[sflag:s4] =	ssyncset.s32 $0xFFFFF086  }
0x25: {  	[simem:s6], [sflag:s4] =	dma.local [hbm:s3], $0xF7A  }
0x26: {  	[smem:$0x3F9F] =	sst s1;
	(tag) =	ssettag s2;
	_ =	strace s9  }
0x27: {  	s1 =	sld [smem:$0x3FAF]  }
0x28: {  	s2 =	sld [smem:$0x3FB0]  }
0x29: {  	s4 =	sld [smem:$0x3FB2]  }
0x2a: {  	p0 =	seq.s32 s5, $0x0;
	s5 =	sld [smem:$0x3FB3]  }
0x2b: {  	s6 =	sld [smem:$0x3FB4]  }
0x2c: {  	s7 =	sld [smem:$0x3FB5]  }
0x2d: {  	s3 =	simm.s32 $0x108;
	s8 =	sld [smem:$0x3FB6]  }
0x2e: {  	s3 =	simm.s32 @!p0 $0x1082;
	s9 =	sld [smem:$0x3FB7]  }
0x2f: {  	lr =	sadd.s32 s0, s3;
	s0 =	sld [smem:$0x3FAE]  }
0x30: {  	s3 =	sld [smem:$0x3FB1]  }
0x31: {  	[smem:$0x3FBA] =	sst s10  }
0x32: {  	s10 =	sld [smem:$0x3FB8];
	_ =	sdelay $0x3  }
0x33: {  	p0 =	seq.s32 s10, $0x1;
	s10 =	sld [smem:$0x3FBA];
	_ =	sdelay $0x3  }
0x34: {  	[smem:$0x3FBA] =	sst s10  }
0x35: {  	s10 =	sld [smem:$0x3FB9];
	_ =	sdelay $0x3  }
0x36: {  	p1 =	seq.s32 s10, $0x1;
	s10 =	sld [smem:$0x3FBA];
	_ =	sdelay $0x3  }
0x37: {  	[smem:$0x3FBA] =	sst s10  }
0x38: {  	s10 =	sld [smem:$0x3FBB]  }
0x39: {  	_ = 	snop;
	(pc) =	sbr.ind lr, $3  }
0x3a: {  	_ = 	snop  }
0x3b: {  	_ = 	snop  }
0x3c: {  	p2 =	seq.s32 s10, $0x1;
	s10 =	sld [smem:$0x3FBA]  }
0x3d: {  	_ =	shalt  }
0x3e: {  	_ =	shalt  }
0x3f: {  	_ =	shalt  }
0x40: {  	_ =	shalt  }
0x41: {  	_ =	shalt  }
0x42: {  	_ =	shalt  }
0x43: {  	_ =	shalt  }
0x44: {  	_ =	shalt  }
0x45: {  	_ =	shalt  }
0x46: {  	_ =	shalt  }
0x47: {  	_ =	shalt  }
0x48: {  	_ =	shalt  }
0x49: {  	_ =	shalt  }
0x4a: {  	_ =	shalt  }
0x4b: {  	_ =	shalt  }
0x4c: {  	_ =	shalt  }
0x4d: {  	_ =	shalt  }
0x4e: {  	_ =	shalt  }
0x4f: {  	_ =	shalt  }
0x50: {  	_ =	shalt  }
0x51: {  	_ =	shalt  }
0x52: {  	_ =	shalt  }
0x53: {  	_ =	shalt  }
0x54: {  	_ =	shalt  }
0x55: {  	_ =	shalt  }
0x56: {  	_ =	shalt  }
0x57: {  	_ =	shalt  }
0x58: {  	_ =	shalt  }
0x59: {  	_ =	shalt  }
0x5a: {  	_ =	shalt  }
0x5b: {  	_ =	shalt  }
0x5c: {  	_ =	shalt  }
0x5d: {  	_ =	shalt  }
0x5e: {  	_ =	shalt  }
0x5f: {  	_ =	shalt  }
0x60: {  	_ =	shalt  }
0x61: {  	_ =	shalt  }
0x62: {  	_ =	shalt  }
0x63: {  	_ =	shalt  }
0x64: {  	_ =	shalt  }
0x65: {  	_ =	shalt  }
0x66: {  	_ =	shalt  }
0x67: {  	_ =	shalt  }
0x68: {  	_ =	shalt  }
0x69: {  	_ =	shalt  }
0x6a: {  	_ =	shalt  }
0x6b: {  	_ =	shalt  }
0x6c: {  	_ =	shalt  }
0x6d: {  	_ =	shalt  }
0x6e: {  	_ =	shalt  }
0x6f: {  	_ =	shalt  }
0x70: {  	_ =	shalt  }
0x71: {  	_ =	shalt  }
0x72: {  	_ =	shalt  }
0x73: {  	_ =	shalt  }
0x74: {  	_ =	shalt  }
0x75: {  	_ =	shalt  }
0x76: {  	_ =	shalt  }
0x77: {  	_ =	shalt  }
0x78: {  	_ =	shalt  }
0x79: {  	_ =	shalt  }
0x7a: {  	_ =	shalt  }
0x7b: {  	_ =	shalt  }
0x7c: {  	_ =	shalt  }
0x7d: {  	_ =	shalt  }
0x7e: {  	_ =	shalt  }
0x7f: {  	_ =	shalt  }
0x80: {  	_ =	shalt  }
0x81: {  	_ =	shalt  }
0x82: {  	_ =	shalt  }
0x83: {  	_ =	shalt  }
0x84: {  	_ =	shalt  }
0x85: {  	_ =	shalt  }
0x86: {  	_ =	shalt  }
0x87: {  	_ =	shalt  }
.Lfunc_end0:
.L_simem_size_0:
called_computation_lowered:
.L_overlay_start_0:
0x88: {  	s2 =	sld [smem:$0x3FD9]  }
0x89: {  	s3 =	sld [smem:$0x3FFE];
	_ =	sdelay $0x1  }
0x8a: {  	s1 =	srdreg.scid  }
0x8b: {  	s0 =	sand.u32 $0x1, s1  }
0x8c: {  	s17 =	sshll.u32 s0, $0xA;
	s2 =	sadd.s32 s3, s2  }
0x8d: {  	s2 =	sadd.s32 s2, s17  }
0x8e: {  	[smem:$0x3FC6] =	sst s2  }
0x8f: {  	_ = 	snop  }
0x90: {  	s2 =	sld [smem:$0x3FC8];
	(tm) =	ssettm $0x1  }
0x91: {  	s18 =	sld [smem:$0x3FFB];
	_ =	sdelay $0x3  }
0x92: {  	_ =	strace s18  }
0x93: {  	s3 =	sld [smem:$0x3FFC];
	_ =	sdelay $0x3  }
0x94: {  	_ =	strace s3  }
0x95: {  	s3 =	sld [smem:$0x3FFD];
	_ =	sdelay $0x3  }
0x96: {  	_ =	strace s3  }
0x97: {  	_ =	strace $0x8FFFFFFF  }
0x98: {  	s19 =	sld [smem:$0x3FDB];
	_ =	sdelay $0x1  }
0x99: {  	s4 =	simm.s32 $_scs_section_size  }
0x9a: {  	s5 =	simm.s32 $_size__tile_overlayer_lowered;
	s6 =	simm.s32 $_tile_overlayer_lowered  }
0x9b: {  	s22 =	simm.s32 $0x1BFF;
	s21 =	sshll.u32 s6, $0x1;
	s3 =	sadd.s32 s4, s19  }
0x9c: {  	s7 =	simm.s32 $0x0;
	s20 =	sshll.u32 s5, $0x1;
	s5 =	sadd.s32 s21, s3  }
0x9d: {  	[timem:s7], [sflag:s22] =	dma.local [hbm:s5], s20  }
0x9e: {  	_ =	swait.ge [sflag:s22], s20  }
0x9f: {  	s4 =	ssub.s32 $0x0, s20;
	[sflag:s22] =	ssyncset.done $0x0  }
0xa0: {  	[sflag:s22] =	ssyncadd.s32 s4;
	_ =	sdelay $0x1  }
0xa1: {  	s23 =	simm.s32 $0x1B8B  }
0xa2: {  	_ =	swait.ge [sflag:s23], $0x1  }
0xa3: {  	[sflag:s23] =	ssyncset.done $0x0  }
0xa4: {  	s25 =	simm.s32 $0x1B8E;
	s24 =	sld [smem:$0x3FFE];
	[sflag:s23] =	ssyncadd.s32 $0xFFFFFFFF  }
0xa5: {  	s26 =	simm.s32 $execute0_lowered;
	[smem:$0x3FD2] =	sst s25  }
0xa6: {  	s5 =	sshll.u32 s26, $0x1;
	_ =	strace $0x80000046;
	[dreg:$0x1] =	wrdreg $0xFFFFFFFF  }
0xa7: {  	s28 =	simm.s32 $_size_execute0_lowered;
	s3 =	sadd.s32 s3, s5;
	[dreg:$0x0] =	wrdreg $0x0  }
0xa8: {  	s5 =	sshll.u32 s28, $0x1;
	[dreg:$0x2] =	wrdreg s3  }
0xa9: {  	[dreg:$0x3] =	wrdreg s5  }
0xaa: {  	[dreg:$0x4] =	wrdreg $0xC0  }
0xab: {  	_ =	task [dreg:s7], $0x5FFFF  }
0xac: {  	[dreg:$0x1] =	wrdreg $0xFFFFFFFF  }
0xad: {  	[dreg:$0x0] =	wrdreg $0x60  }
0xae: {  	[dreg:$0x2] =	wrdreg s24  }
0xaf: {  	[dreg:$0x3] =	wrdreg s2  }
0xb0: {  	[dreg:$0x4] =	wrdreg $0x10A000  }
0xb1: {  	[dreg:$0x5] =	wrdreg $0x9  }
0xb2: {  	_ =	task.clear_ibuf [dreg:s7], $0x6FFFF;
	_ =	strace $0x90000046  }
0xb3: {  	s29 =	simm.s32 $0x9;
	_ =	strace $0x80000048  }
0xb4: {  	_ =	swait.ge [sflag:s29], $0x1  }
0xb5: {  	[sflag:s29] =	ssyncadd.s32 $0xFFFFFFFF  }
0xb6: {  	_ =	strace $0x90000048  }
0xb7: {  	_ =	sfence  }
0xb8: {  	s30 =	sld [smem:$0x0];
	_ =	sdelay $0x2  }
0xb9: {  	s31 =	sshll.u32 s1, $0xD;
	s1 =	sshrl.u32 s1, $0x2  }
0xba: {  	s3 =	sand.u32 $0x4000, s31;
	s1 =	sadd.s32 s1, s30  }
0xbb: {  	s0 =	sor.u32 s3, s0;
	s1 =	sshll.u32 s1, $0x11  }
0xbc: {  	s0 =	sor.u32 s1, s0  }
0xbd: {  	s0 =	sadd.s32 $0x8F2B, s0  }
0xbe: {  	[sflag:s0] =	ssyncadd.remote.s32 $0x1  }
0xbf: {  	_ =	sfence.sel $0xFFFF  }
0xc0: {  	[dreg:$0x0] =	wrdreg $0xFFFFFFFF;
	(pc) =	sbr.abs _section_cstart, $3  }
0xc1: {  	[dreg:$0x1] =	wrdreg $0xFFFFFFFF  }
0xc2: {  	_ =	task.clear_ibuf [dreg:s7], $0x2FFFF;
	_ =	strace $0x9FFFFFFF  }
0xc3: {  	(tm) =	ssettm $0x7FFFFFFF  }
tec
execute0_lowered:
.L_overlay_start_1:
0x0: {  	(tag) =	ssettag $0x1  }
0x1: {  	s0 =	rddreg [dreg:$0x0]  }
0x2: {  	s1 =	rddreg [dreg:$0x2];
	s4 =	srdreg.scid;
	s3 =	simm.s32 $0x0  }
0x3: {  	s2 =	stileid.u32;
	s28 =	simm.s32 $0x4A00;
	s29 =	simm.s32 $0x1  }
0x4: {  	s30 =	simm.s32 $0x10;
	s31 =	simm.s32 $0x20;
	s4 =	sand.u32 $0x1, s4  }
0x5: {  	[smem:$0x7FF] =	sst s3;
	s5 =	sshll.u32 s2, $0xE;
	s7 =	sadd.s32 $0x400, s0  }
0x6: {  	s16 =	sshll.u32 s2, $0x12;
	s19 =	sshll.u32 s2, $0xF;
	s6 =	sshll.u32 s4, $0xD  }
0x7: {  	_ =	strace $0x80000047;
	s8 =	ssub.s32 $0x2, s4;
	s0 =	sadd.s32 s16, s0  }
0x8: {  	s4 =	sshll.u32 s4, $0x11;
	s16 =	simm.s32 $0x9;
	s5 =	sor.u32 s6, s5  }
0x9: {  	s17 =	sshrl.u32 s8, $0x1;
	s0 =	sadd.s32 s4, s0;
	s4 =	simm.s32 $0x0  }
0xa: {  	s9 =	sshrl.u32 s5, $0x3;
	s6 =	ssub.s32 s8, s17;
	s8 =	sadd.s32 s19, s1  }
0xb: {  	s22 =	sor.u32 $0x380, s5;
	s10 =	sor.u32 $0x300, s5;
	s25 =	sor.u32 $0x280, s5  }
0xc: {  	s5 =	sor.u32 $0x200, s5;
	s0 =	sadd.s32 $0x9C00, s0;
	s9 =	sadd.s32 s7, s9  }
0xd: {  	s23 =	smax.u32 s6, $0x1;
	s1 =	sshrl.u32 s22, $0x3;
	s24 =	sshrl.u32 s10, $0x3  }
0xe: {  	s26 =	sshrl.u32 s5, $0x3;
	[dreg:$0x9] =	wrdreg s0;
	s22 =	simm.s32 $0xA00  }
0xf: {  	s0 =	simm.s32 $0x7;
	s5 =	simm.s32 $0x8A00;
	s6 =	simm.s32 $0x8  }
0x10: {  	s10 =	simm.s32 $0xCA00;
	s18 =	sadd.s32 $0x10, s9;
	s20 =	sadd.s32 $0x20, s9  }
0x11: {  	[dreg:$0x4] =	wrdreg s9;
	s21 =	sadd.s32 $0x30, s9;
	s9 =	sadd.s32 $0x80, s8  }
0x12: {  	[dreg:$0x8] =	wrdreg s23;
	s11 =	sadd.s32 s1, s7;
	s12 =	sadd.s32 s24, s7  }
.Ltmp0:
0x13: {  	s1 =	sshrl.u32 s25, $0x3;
	s15 =	sadd.s32 s26, s7;
	(pc) =	sbr.rel .LBB2_1-.Ltmp0, $4  }
0x14: {  	s23 =	simm.s32 $0x6;
	s24 =	simm.s32 $0x2;
	[dreg:$0x5] =	wrdreg s18  }
0x15: {  	s25 =	simm.s32 $0x80;
	s26 =	simm.s32 $0x100;
	[dreg:$0x6] =	wrdreg s20  }
0x16: {  	[dreg:$0x7] =	wrdreg s21;
	s13 =	sadd.s32 s1, s7;
	s20 =	simm.s32 $0x980  }
0x17: {  	s21 =	simm.s32 $0x5;
	s1 =	simm.s32 $0x3;
	s7 =	simm.s32 $0x4  }
.LBB2_16:
0x18: {  	_ =	swait.ge [sflag:s29], $0x4000  }
0x19: {  	[sflag:s29] =	ssyncset.done $0x0  }
0x1a: {  	[sflag:s29] =	ssyncadd.s32 $0xFFFFC000  }
0x1b: {  	_ =	swait.ge [sflag:s24], $0x800  }
0x1c: {  	[sflag:s24] =	ssyncset.done $0x0  }
0x1d: {  	[sflag:s24] =	ssyncadd.s32 $0xFFFFF800  }
0x1e: {  	_ =	swait.ge [sflag:s1], $0x4000  }
0x1f: {  	[sflag:s1] =	ssyncset.done $0x0  }
0x20: {  	[sflag:s1] =	ssyncadd.s32 $0xFFFFC000  }
0x21: {  	_ =	swait.ge [sflag:s7], $0x800  }
0x22: {  	s4 =	rddreg [dreg:$0xa]  }
0x23: {  	s2 =	rddreg [dreg:$0x8];
	s4 =	sadd.s32 $0x1, s4  }
0x24: {  	p0 =	sne.s32 s4, s2  }
.Ltmp1:
0x25: {  	_ = 	snop;
	(pc) =	sbr.rel @!p0 .LBB2_17-.Ltmp1, $3  }
0x26: {  	_ =	sdelay $0x1  }
0x27: {  	[sflag:s7] =	ssyncset.done $0x0  }
0x28: {  	[sflag:s7] =	ssyncadd.s32 $0xFFFFF800  }
.LBB2_1:
0x29: {  	[dreg:$0xa] =	wrdreg s4  }
0x2a: {  	s2 =	rddreg [dreg:$0x1]  }
0x2b: {  	[tilespmem:s3], [sflag:$0x9] =	stream.linear.gather [hbm4b:s2+s3], $0x800, $0x38;
	[tilespmem:$0x18A00] =	vst v63  }
0x2c: {  	_ =	swait.ge [sflag:s16], $0x800  }
0x2d: {  	[sflag:s16] =	ssyncset.done $0x0;
	s18 =	rddreg [dreg:$0x4]  }
0x2e: {  	s19 =	simm.s32 $0x800;
	s4 =	rddreg [dreg:$0x5];
	[sflag:s16] =	ssyncadd.s32 $0xFFFFF800  }
0x2f: {  	[tilespmem:s19], [sflag:$0x5] =	stream.linear.gather [hbm4b:s18+s3], $0x80, $0x38;
	[tilespmem:$0x18A00] =	vst v63  }
0x30: {  	s14 =	simm.s32 $0x880;
	s17 =	rddreg [dreg:$0x6]  }
0x31: {  	[tilespmem:s14], [sflag:$0x6] =	stream.linear.gather [hbm4b:s4+s3], $0x80, $0x38;
	[tilespmem:$0x18A00] =	vst v63  }
0x32: {  	s18 =	simm.s32 $0x900;
	s19 =	rddreg [dreg:$0x7]  }
0x33: {  	[tilespmem:s18], [sflag:$0x7] =	stream.linear.gather [hbm4b:s17+s3], $0x80, $0x38;
	[tilespmem:$0x18A00] =	vst v63  }
0x34: {  	s14 =	rddreg [dreg:$0x9];
	s4 =	simm.s32 $0x0  }
0x35: {  	[tilespmem:s20], [sflag:$0x8] =	stream.linear.gather [hbm4b:s19+s3], $0x80, $0x38;
	[tilespmem:$0x18A00] =	vst v63  }
.LBB2_2:
0x36: {  	_ =	swait.ge [sflag:s21], $0x80  }
0x37: {  	p0 =	seq.s32 s4, $0x0;
	p1 =	sne.s32 s4, $0x3C0;
	[sflag:s21] =	ssyncset.done $0x0  }
.Ltmp2:
0x38: {  	s17 =	simm.s32 @!p0 $0x1;
	[sflag:s21] =	ssyncadd.s32 $0xFFFFFF80;
	(pc) =	sbr.rel @p1 .LBB2_4-.Ltmp2, $4  }
0x39: {  	_ =	swait.ge @!p0 [sflag:s17], $0x4000  }
0x3a: {  	[sflag:s17] =	ssyncset.done @!p0 $0x0  }
0x3b: {  	s19 =	sadd.s32 $0xFFFFE800, s14;
	[sflag:s17] =	ssyncadd.s32 @!p0 $0xFFFFC000  }
0x3c: {  	[hbm4b:s19+s3] =	stream.linear.scatter [tilespmem:s22], [sflag:$0x1], $0x4000, $0x38;
	[tilespmem:$0x18A00] =	vst v63  }
.Ltmp3:
0x3d: {  	(pc) =	sbr.rel .LBB2_5-.Ltmp3, $4  }
0x3e: {  	_ = 	snop  }
0x3f: {  	_ =	swait.ge [sflag:s23], $0x80  }
0x40: {  	[sflag:s23] =	ssyncset.done $0x0  }
0x41: {  	[sflag:s23] =	ssyncadd.s32 $0xFFFFFF80  }
.LBB2_4:
.Ltmp4:
0x42: {  	s17 =	sadd.s32 s4, s15;
	s2 =	simm.s32 $0x800;
	(pc) =	sbr.rel @p0 .LBB2_6-.Ltmp4, $4  }
0x43: {  	[tilespmem:s2], [sflag:$0x5] =	stream.linear.gather [hbm4b:s17+s3], $0x80, $0x38;
	[tilespmem:$0x18A00] =	vst v63  }
0x44: {  	_ =	swait.ge [sflag:s23], $0x80  }
0x45: {  	[sflag:s23] =	ssyncset.done $0x0  }
0x46: {  	[sflag:s23] =	ssyncadd.s32 $0xFFFFFF80  }
.LBB2_5:
0x47: {  	_ =	swait.ge [sflag:s24], $0x800  }
0x48: {  	[sflag:s24] =	ssyncset.done $0x0  }
0x49: {  	[sflag:s24] =	ssyncadd.s32 $0xFFFFF800  }
.LBB2_6:
0x4a: {  	[spmem:s8] =	stream.strided.scatter [tilespmem:s28], [sflag:$0x9], $0x4000, s26, s25, $0x38;
	[tilespmem:$0x18A00] =	vst v63  }
.Ltmp5:
0x4b: {  	_ = 	snop;
	(pc) =	sbr.rel @p1 .LBB2_8-.Ltmp5, $4  }
0x4c: {  	s2 =	stileid.u32;
	_ =	swait.ge [sflag:s16], $0x4000  }
0x4d: {  	s18 =	sadd.s32 $0xFFFFF000, s14;
	s17 =	sshll.u32 s2, $0x6;
	[sflag:s16] =	ssyncset.done $0x0  }
0x4e: {  	s2 =	sshrl.u32 s8, $0x3;
	s19 =	sor.u32 $0x1C02, s17;
	[sflag:s16] =	ssyncadd.s32 $0xFFFFC000  }
0x4f: {  	[hbm:s18@s30], [sflag:s19] =	dma.strided [spmem:s2@s31], $0x800, s29, $0x10   }
.Ltmp6:
0x50: {  	(pc) =	sbr.rel .LBB2_9-.Ltmp6, $4  }
0x51: {  	_ = 	snop  }
0x52: {  	_ =	swait.ge [sflag:s0], $0x80  }
0x53: {  	[sflag:s0] =	ssyncset.done $0x0  }
0x54: {  	[sflag:s0] =	ssyncadd.s32 $0xFFFFFF80  }
.LBB2_8:
.Ltmp7:
0x55: {  	s2 =	sadd.s32 s4, s13;
	s18 =	simm.s32 $0x880;
	(pc) =	sbr.rel @p0 .LBB2_10-.Ltmp7, $4  }
0x56: {  	[tilespmem:s18], [sflag:$0x6] =	stream.linear.gather [hbm4b:s2+s3], $0x80, $0x38;
	[tilespmem:$0x18A00] =	vst v63  }
0x57: {  	_ =	swait.ge [sflag:s0], $0x80  }
0x58: {  	[sflag:s0] =	ssyncset.done $0x0  }
0x59: {  	[sflag:s0] =	ssyncadd.s32 $0xFFFFFF80  }
.LBB2_9:
0x5a: {  	_ =	swait.ge [sflag:s1], $0x4000  }
0x5b: {  	[sflag:s1] =	ssyncset.done $0x0  }
0x5c: {  	[sflag:s1] =	ssyncadd.s32 $0xFFFFC000  }
.LBB2_10:
.Ltmp8:
0x5d: {  	(pc) =	sbr.rel @p1 .LBB2_12-.Ltmp8, $3  }
0x5e: {  	_ =	sdelay $0x1  }
0x5f: {  	s2 =	sadd.s32 $0xFFFFF800, s14  }
0x60: {  	[hbm4b:s2+s3] =	stream.linear.scatter [tilespmem:s5], [sflag:$0x3], $0x4000, $0x38;
	[tilespmem:$0x18A00] =	vst v63  }
.Ltmp9:
0x61: {  	(pc) =	sbr.rel .LBB2_13-.Ltmp9, $4  }
0x62: {  	_ = 	snop  }
0x63: {  	_ =	swait.ge [sflag:s6], $0x80  }
0x64: {  	[sflag:s6] =	ssyncset.done $0x0  }
0x65: {  	[sflag:s6] =	ssyncadd.s32 $0xFFFFFF80  }
.LBB2_12:
.Ltmp10:
0x66: {  	s2 =	sadd.s32 s4, s12;
	s18 =	simm.s32 $0x900;
	(pc) =	sbr.rel @p0 .LBB2_14-.Ltmp10, $4  }
0x67: {  	[tilespmem:s18], [sflag:$0x7] =	stream.linear.gather [hbm4b:s2+s3], $0x80, $0x38;
	[tilespmem:$0x18A00] =	vst v63  }
0x68: {  	_ =	swait.ge [sflag:s6], $0x80  }
0x69: {  	[sflag:s6] =	ssyncset.done $0x0  }
0x6a: {  	[sflag:s6] =	ssyncadd.s32 $0xFFFFFF80  }
.LBB2_13:
0x6b: {  	_ =	swait.ge [sflag:s7], $0x800  }
0x6c: {  	[sflag:s7] =	ssyncset.done $0x0  }
0x6d: {  	[sflag:s7] =	ssyncadd.s32 $0xFFFFF800  }
.LBB2_14:
0x6e: {  	[spmem:s9] =	stream.strided.scatter [tilespmem:s10], [sflag:$0x9], $0x4000, s26, s25, $0x38;
	[tilespmem:$0x18A00] =	vst v63  }
0x6f: {  	p0 =	seq.s32 s4, $0x3C0  }
.Ltmp11:
0x70: {  	_ = 	snop;
	(pc) =	sbr.rel @p0 .LBB2_16-.Ltmp11, $4  }
0x71: {  	_ =	swait.ge [sflag:s16], $0x4000  }
0x72: {  	[sflag:s16] =	ssyncset.done $0x0  }
0x73: {  	s2 =	sor.u32 $0x1C04, s17;
	s19 =	sshrl.u32 s9, $0x3;
	[sflag:s16] =	ssyncadd.s32 $0xFFFFC000  }
0x74: {  	[hbm:s14@s30], [sflag:s2] =	dma.strided [spmem:s19@s31], $0x800, s29, $0x10   }
.Ltmp12:
0x75: {  	(pc) =	sbr.rel .LBB2_2-.Ltmp12, $3  }
0x76: {  	_ =	sdelay $0x1  }
0x77: {  	s2 =	sadd.s32 s4, s11;
	s4 =	sadd.s32 $0x40, s4;
	s14 =	sadd.s32 $0x2000, s14  }
0x78: {  	[tilespmem:s20], [sflag:$0x8] =	stream.linear.gather [hbm4b:s2+s3], $0x80, $0x38;
	[tilespmem:$0x18A00] =	vst v63  }
.LBB2_17:
0x79: {  	_ =	sfence.sel $0x180000  }
0x7a: {  	[bflag:$0x0] =	sbarrier.arrive $0xFFFF  }
0x7b: {  	_ =	strace $0x90000047  }
0x7c: {  	s0 =	stileid.u32;
	[bflag:$0x2] =	sbarrier.arrive $0xFFFF  }
0x7d: {  	p0 =	sne.s32 s0, $0x0;
	s0 =	rddreg [dreg:$0x3]  }
0x7e: {  	s0 =	sadd.s32 @!p0 $0x100000, s0  }
0x7f: {  	[sflag:s0] =	ssyncadd.tile.s32 @!p0 $0x1;
	_ =	shalt  }
.Lfunc_end2:
_tile_overlayer_lowered:
.L_overlay_start_2:
0x80: {  	(tag) =	ssettag $0x2  }
0x81: {  	s0 =	rddreg [dreg:$0x0];
	s2 =	stileid.u32  }
0x82: {  	s1 =	rddreg [dreg:$0x1];
	p0 =	sne.s32 s2, $0x0  }
0x83: {  	s3 =	rddreg [dreg:$0x2];
	[bflag:$0x3] =	sbarrier.arrive $0xFFFF;
	s2 =	simm.s32 @!p0 $0x1C09  }
0x84: {  	[timem:s3], [sflag:s2] =	dma.local @!p0 [hbm:s0], s1  }
0x85: {  	s0 =	simm.s32 @!p0 $0x9  }
0x86: {  	_ =	swait.ge @!p0 [sflag:s0], s1  }
0x87: {  	s1 =	ssub.s32 @!p0 $0x0, s1;
	[sflag:s0] =	ssyncset.done @!p0 $0x0  }
0x88: {  	[sflag:s0] =	ssyncadd.s32 @!p0 s1  }
0x89: {  	[bflag:$0x3] =	sbarrier.arrive $0xFFFF  }
0x8a: {  	_ =	shalt  }

</sc_bundles>
